<compile_context>
chip_gen: v7x
topology: tpu7x:2x2x1
jax: 0.10.2.dev20260603
libtpu: 0.0.44.dev20260713+nightly
codegen_flags: <defaults>
</compile_context>

<pallas_src>
import jax
import jax.numpy as jnp
from jax import lax
from jax.experimental import pallas as pl
from jax.experimental.pallas import tpu as pltpu
from jax.experimental.pallas import tpu_sc as plsc

V = 1_000_000
D = 64
DP = 128
B = 4096 * 26
NC, NS = 2, 16
NW = NC * NS
BPW = B // NW
C = 416
NGCH = BPW // C


def _gather_body(idx_hbm, pack_hbm, out_hbm, idx_v, rows0, rows1, semi,
                 sem0, sem1):
    wid = lax.axis_index("s") * NC + lax.axis_index("c")
    base = wid * BPW
    pltpu.async_copy(idx_hbm.at[pl.ds(base, BPW)], idx_v, semi).wait()
    bufs, sems = (rows0, rows1), (sem0, sem1)
    ins = [None, None]
    ins[0] = pltpu.async_copy(pack_hbm.at[idx_v.at[pl.ds(0, C)]], rows0, sem0)
    for c in range(NGCH):
        cur = c % 2
        if c + 1 < NGCH:
            nxt = (c + 1) % 2
            ins[nxt] = pltpu.async_copy(
                pack_hbm.at[idx_v.at[pl.ds((c + 1) * C, C)]], bufs[nxt],
                sems[nxt])
        ins[cur].wait()
        pltpu.sync_copy(bufs[cur], out_hbm.at[pl.ds(base + c * C, C)])


def kernel(input, table):
    idx = input.reshape(-1).astype(jnp.int32)
    tabp = jnp.pad(table, ((0, 0), (0, DP - D)))
    mesh = plsc.VectorSubcoreMesh(core_axis_name="c", subcore_axis_name="s")
    wide = pl.kernel(
        _gather_body,
        out_type=jax.ShapeDtypeStruct((B, DP), jnp.float32),
        mesh=mesh,
        compiler_params=pltpu.CompilerParams(needs_layout_passes=False),
        scratch_types=[
            pltpu.VMEM((BPW,), jnp.int32),
            pltpu.VMEM((C, DP), jnp.float32),
            pltpu.VMEM((C, DP), jnp.float32),
            pltpu.SemaphoreType.DMA,
            pltpu.SemaphoreType.DMA,
            pltpu.SemaphoreType.DMA,
        ],
    )(idx, tabp)
    return wide[:, :D].reshape(input.shape + (D,))

# --- scband reference (transcript-rebuilt; emitter-appended) ---
"""Pipeline reference for scband-custom-embedding-23184233464147 (READ-ONLY COPY).

The authoritative reference and input builder live on the scoring server;
editing this copy changes nothing except your own understanding.
"""

import jax, jax.numpy as jnp
import numpy as np

NUM_EMBEDDINGS = 1000000
EMBEDDING_DIM = 64

def setup_inputs(seed: int = 0) -> dict:
    key = jax.random.key(seed)
    k_idx, k_tab = jax.random.split(key)
    indices = jax.random.randint(k_idx, (4096, 26), 0, NUM_EMBEDDINGS, dtype=jnp.int64)
    # nn.Embedding default init: N(0, 1)
    table = jax.random.normal(k_tab, (NUM_EMBEDDINGS, EMBEDDING_DIM), dtype=jnp.float32)
    return {"input": indices, "table": table}

def reference(input, table):
    # CustomEmbedding.forward: self.embed(input) -> table gather
    return jnp.take(table, input, axis=0)

if __name__ == "__main__":
    import jax
    _d = setup_inputs()
    print(jax.jit(kernel)(*tuple(_d.values())))

</pallas_src>

<mosaic_0001>
#map = affine_map<(d0, d1) -> (0)>
#map1 = affine_map<(d0, d1) -> (0, 0)>
module attributes {stable_mosaic.version = 14 : i64} {
  func.func @_gather_body(%arg0: i32, %arg1: i32, %arg2: memref<106496xi32, #tpu.memory_space<hbm>>, %arg3: memref<1000000x128xf32, #tpu.memory_space<hbm>>, %arg4: memref<106496x128xf32, #tpu.memory_space<hbm>>, %arg5: memref<3328xi32, #tpu.memory_space<vmem>>, %arg6: memref<416x128xf32, #tpu.memory_space<vmem>>, %arg7: memref<416x128xf32, #tpu.memory_space<vmem>>, %arg8: memref<!tpu.dma_semaphore, #tpu.memory_space<semaphore_mem>>, %arg9: memref<!tpu.dma_semaphore, #tpu.memory_space<semaphore_mem>>, %arg10: memref<!tpu.dma_semaphore, #tpu.memory_space<semaphore_mem>>) attributes {dimension_semantics = [#tpu.dimension_semantics<core_parallel>, #tpu.dimension_semantics<subcore_parallel>], iteration_bounds = array<i64: 2, 16>, scalar_prefetch = 0 : i64, scratch_operands = 6 : i64, tpu.core_type = #tpu.core_type<sc_vector_subcore>, window_params = [{transform_indices = #map}, {transform_indices = #map1}, {transform_indices = #map1}]} {
    %mul3A = arith.constant 2 : i32
    %mul3A_0 = arith.muli %arg1, %mul3A : i32
    %add3A = arith.addi %mul3A_0, %arg0 : i32
    %mul3A_1 = arith.constant 3328 : i32
    %mul3A_2 = arith.muli %add3A, %mul3A_1 : i32
    %dma_start3A = tpu.memref_slice %arg2[%mul3A_2] : memref<106496xi32, #tpu.memory_space<hbm>> -> memref<3328xi32, #tpu.memory_space<hbm>>
    %dma_start3A_3 = tpu.memref_slice %arg2[%mul3A_2] : memref<106496xi32, #tpu.memory_space<hbm>> -> memref<3328xi32, #tpu.memory_space<hbm>>
    tpu.enqueue_dma source(%dma_start3A_3 : memref<3328xi32, #tpu.memory_space<hbm>>) target(%arg5 : memref<3328xi32, #tpu.memory_space<vmem>>) target_semaphore(%arg8 : memref<!tpu.dma_semaphore, #tpu.memory_space<semaphore_mem>>)
    %dma_wait3A = tpu.memref_slice %arg2[%mul3A_2] : memref<106496xi32, #tpu.memory_space<hbm>> -> memref<3328xi32, #tpu.memory_space<hbm>>
    %dma_wait3A_4 = tpu.memref_slice %arg2[%mul3A_2] : memref<106496xi32, #tpu.memory_space<hbm>> -> memref<3328xi32, #tpu.memory_space<hbm>>
    tpu.wait_dma2 semaphore(%arg8 : memref<!tpu.dma_semaphore, #tpu.memory_space<semaphore_mem>>) src(%dma_wait3A_4 : memref<3328xi32, #tpu.memory_space<hbm>>) dst(%arg5 : memref<3328xi32, #tpu.memory_space<vmem>>)
    %dma_start3A_5 = arith.constant 0 : i32
    %dma_start3A_6 = tpu.memref_slice %arg5[%dma_start3A_5] : memref<3328xi32, #tpu.memory_space<vmem>> -> memref<416xi32, #tpu.memory_space<vmem>>
    %dma_start3A_7 = arith.constant 0 : i32
    %dma_start3A_8 = arith.constant 0 : i32
    %dma_start3A_9 = tpu.memref_slice %arg3[%dma_start3A_7, %dma_start3A_8] : memref<1000000x128xf32, #tpu.memory_space<hbm>> -> memref<1000000x128xf32, #tpu.memory_space<hbm>>
    tpu.enqueue_indirect_dma source(%dma_start3A_9 : memref<1000000x128xf32, #tpu.memory_space<hbm>>) target(%arg6 : memref<416x128xf32, #tpu.memory_space<vmem>>) offsets(%dma_start3A_6 : memref<416xi32, #tpu.memory_space<vmem>>) semaphore(%arg9 : memref<!tpu.dma_semaphore, #tpu.memory_space<semaphore_mem>>)
    %dma_start3A_10 = arith.constant 416 : i32
    %dma_start3A_11 = tpu.memref_slice %arg5[%dma_start3A_10] : memref<3328xi32, #tpu.memory_space<vmem>> -> memref<416xi32, #tpu.memory_space<vmem>>
    %dma_start3A_12 = arith.constant 0 : i32
    %dma_start3A_13 = arith.constant 0 : i32
    %dma_start3A_14 = tpu.memref_slice %arg3[%dma_start3A_12, %dma_start3A_13] : memref<1000000x128xf32, #tpu.memory_space<hbm>> -> memref<1000000x128xf32, #tpu.memory_space<hbm>>
    tpu.enqueue_indirect_dma source(%dma_start3A_14 : memref<1000000x128xf32, #tpu.memory_space<hbm>>) target(%arg7 : memref<416x128xf32, #tpu.memory_space<vmem>>) offsets(%dma_start3A_11 : memref<416xi32, #tpu.memory_space<vmem>>) semaphore(%arg10 : memref<!tpu.dma_semaphore, #tpu.memory_space<semaphore_mem>>)
    %dma_wait3A_15 = arith.constant 0 : i32
    %dma_wait3A_16 = tpu.memref_slice %arg5[%dma_wait3A_15] : memref<3328xi32, #tpu.memory_space<vmem>> -> memref<416xi32, #tpu.memory_space<vmem>>
    %dma_wait3A_17 = arith.constant 0 : i32
    %dma_wait3A_18 = arith.constant 0 : i32
    %dma_wait3A_19 = tpu.memref_slice %arg3[%dma_wait3A_17, %dma_wait3A_18] : memref<1000000x128xf32, #tpu.memory_space<hbm>> -> memref<1000000x128xf32, #tpu.memory_space<hbm>>
    tpu.wait_indirect_dma semaphore(%arg9 : memref<!tpu.dma_semaphore, #tpu.memory_space<semaphore_mem>>) src(%dma_wait3A_19 : memref<1000000x128xf32, #tpu.memory_space<hbm>>) dst(%arg6 : memref<416x128xf32, #tpu.memory_space<vmem>>)
    %add3A_20 = arith.constant 0 : i32
    %add3A_21 = arith.addi %mul3A_2, %add3A_20 : i32
    "tpu.region"() ({
      %run_scoped3A = tpu.sem_alloc : memref<!tpu.dma_semaphore, #tpu.memory_space<semaphore_mem>>
      %dma_start3A_101 = arith.constant 0 : i32
      %dma_start3A_102 = tpu.memref_slice %arg4[%add3A_21, %dma_start3A_101] : memref<106496x128xf32, #tpu.memory_space<hbm>> -> memref<416x128xf32, #tpu.memory_space<hbm>>
      %dma_start3A_103 = arith.constant 0 : i32
      %dma_start3A_104 = tpu.memref_slice %arg4[%add3A_21, %dma_start3A_103] : memref<106496x128xf32, #tpu.memory_space<hbm>> -> memref<416x128xf32, #tpu.memory_space<hbm>>
      tpu.enqueue_dma source(%arg6 : memref<416x128xf32, #tpu.memory_space<vmem>>) target(%dma_start3A_104 : memref<416x128xf32, #tpu.memory_space<hbm>>) target_semaphore(%run_scoped3A : memref<!tpu.dma_semaphore, #tpu.memory_space<semaphore_mem>>)
      %dma_wait3A_105 = arith.constant 0 : i32
      %dma_wait3A_106 = tpu.memref_slice %arg4[%add3A_21, %dma_wait3A_105] : memref<106496x128xf32, #tpu.memory_space<hbm>> -> memref<416x128xf32, #tpu.memory_space<hbm>>
      %dma_wait3A_107 = arith.constant 0 : i32
      %dma_wait3A_108 = tpu.memref_slice %arg4[%add3A_21, %dma_wait3A_107] : memref<106496x128xf32, #tpu.memory_space<hbm>> -> memref<416x128xf32, #tpu.memory_space<hbm>>
      tpu.wait_dma2 semaphore(%run_scoped3A : memref<!tpu.dma_semaphore, #tpu.memory_space<semaphore_mem>>) src(%arg6 : memref<416x128xf32, #tpu.memory_space<vmem>>) dst(%dma_wait3A_108 : memref<416x128xf32, #tpu.memory_space<hbm>>)
      tpu.yield
    }) : () -> ()
    %dma_start3A_22 = arith.constant 832 : i32
    %dma_start3A_23 = tpu.memref_slice %arg5[%dma_start3A_22] : memref<3328xi32, #tpu.memory_space<vmem>> -> memref<416xi32, #tpu.memory_space<vmem>>
    %dma_start3A_24 = arith.constant 0 : i32
    %dma_start3A_25 = arith.constant 0 : i32
    %dma_start3A_26 = tpu.memref_slice %arg3[%dma_start3A_24, %dma_start3A_25] : memref<1000000x128xf32, #tpu.memory_space<hbm>> -> memref<1000000x128xf32, #tpu.memory_space<hbm>>
    tpu.enqueue_indirect_dma source(%dma_start3A_26 : memref<1000000x128xf32, #tpu.memory_space<hbm>>) target(%arg6 : memref<416x128xf32, #tpu.memory_space<vmem>>) offsets(%dma_start3A_23 : memref<416xi32, #tpu.memory_space<vmem>>) semaphore(%arg9 : memref<!tpu.dma_semaphore, #tpu.memory_space<semaphore_mem>>)
    %dma_wait3A_27 = arith.constant 416 : i32
    %dma_wait3A_28 = tpu.memref_slice %arg5[%dma_wait3A_27] : memref<3328xi32, #tpu.memory_space<vmem>> -> memref<416xi32, #tpu.memory_space<vmem>>
    %dma_wait3A_29 = arith.constant 0 : i32
    %dma_wait3A_30 = arith.constant 0 : i32
    %dma_wait3A_31 = tpu.memref_slice %arg3[%dma_wait3A_29, %dma_wait3A_30] : memref<1000000x128xf32, #tpu.memory_space<hbm>> -> memref<1000000x128xf32, #tpu.memory_space<hbm>>
    tpu.wait_indirect_dma semaphore(%arg10 : memref<!tpu.dma_semaphore, #tpu.memory_space<semaphore_mem>>) src(%dma_wait3A_31 : memref<1000000x128xf32, #tpu.memory_space<hbm>>) dst(%arg7 : memref<416x128xf32, #tpu.memory_space<vmem>>)
    %add3A_32 = arith.constant 416 : i32
    %add3A_33 = arith.addi %mul3A_2, %add3A_32 : i32
    "tpu.region"() ({
      %run_scoped3A = tpu.sem_alloc : memref<!tpu.dma_semaphore, #tpu.memory_space<semaphore_mem>>
      %dma_start3A_101 = arith.constant 0 : i32
      %dma_start3A_102 = tpu.memref_slice %arg4[%add3A_33, %dma_start3A_101] : memref<106496x128xf32, #tpu.memory_space<hbm>> -> memref<416x128xf32, #tpu.memory_space<hbm>>
      %dma_start3A_103 = arith.constant 0 : i32
      %dma_start3A_104 = tpu.memref_slice %arg4[%add3A_33, %dma_start3A_103] : memref<106496x128xf32, #tpu.memory_space<hbm>> -> memref<416x128xf32, #tpu.memory_space<hbm>>
      tpu.enqueue_dma source(%arg7 : memref<416x128xf32, #tpu.memory_space<vmem>>) target(%dma_start3A_104 : memref<416x128xf32, #tpu.memory_space<hbm>>) target_semaphore(%run_scoped3A : memref<!tpu.dma_semaphore, #tpu.memory_space<semaphore_mem>>)
      %dma_wait3A_105 = arith.constant 0 : i32
      %dma_wait3A_106 = tpu.memref_slice %arg4[%add3A_33, %dma_wait3A_105] : memref<106496x128xf32, #tpu.memory_space<hbm>> -> memref<416x128xf32, #tpu.memory_space<hbm>>
      %dma_wait3A_107 = arith.constant 0 : i32
      %dma_wait3A_108 = tpu.memref_slice %arg4[%add3A_33, %dma_wait3A_107] : memref<106496x128xf32, #tpu.memory_space<hbm>> -> memref<416x128xf32, #tpu.memory_space<hbm>>
      tpu.wait_dma2 semaphore(%run_scoped3A : memref<!tpu.dma_semaphore, #tpu.memory_space<semaphore_mem>>) src(%arg7 : memref<416x128xf32, #tpu.memory_space<vmem>>) dst(%dma_wait3A_108 : memref<416x128xf32, #tpu.memory_space<hbm>>)
      tpu.yield
    }) : () -> ()
    %dma_start3A_34 = arith.constant 1248 : i32
    %dma_start3A_35 = tpu.memref_slice %arg5[%dma_start3A_34] : memref<3328xi32, #tpu.memory_space<vmem>> -> memref<416xi32, #tpu.memory_space<vmem>>
    %dma_start3A_36 = arith.constant 0 : i32
    %dma_start3A_37 = arith.constant 0 : i32
    %dma_start3A_38 = tpu.memref_slice %arg3[%dma_start3A_36, %dma_start3A_37] : memref<1000000x128xf32, #tpu.memory_space<hbm>> -> memref<1000000x128xf32, #tpu.memory_space<hbm>>
    tpu.enqueue_indirect_dma source(%dma_start3A_38 : memref<1000000x128xf32, #tpu.memory_space<hbm>>) target(%arg7 : memref<416x128xf32, #tpu.memory_space<vmem>>) offsets(%dma_start3A_35 : memref<416xi32, #tpu.memory_space<vmem>>) semaphore(%arg10 : memref<!tpu.dma_semaphore, #tpu.memory_space<semaphore_mem>>)
    %dma_wait3A_39 = arith.constant 832 : i32
    %dma_wait3A_40 = tpu.memref_slice %arg5[%dma_wait3A_39] : memref<3328xi32, #tpu.memory_space<vmem>> -> memref<416xi32, #tpu.memory_space<vmem>>
    %dma_wait3A_41 = arith.constant 0 : i32
    %dma_wait3A_42 = arith.constant 0 : i32
    %dma_wait3A_43 = tpu.memref_slice %arg3[%dma_wait3A_41, %dma_wait3A_42] : memref<1000000x128xf32, #tpu.memory_space<hbm>> -> memref<1000000x128xf32, #tpu.memory_space<hbm>>
    tpu.wait_indirect_dma semaphore(%arg9 : memref<!tpu.dma_semaphore, #tpu.memory_space<semaphore_mem>>) src(%dma_wait3A_43 : memref<1000000x128xf32, #tpu.memory_space<hbm>>) dst(%arg6 : memref<416x128xf32, #tpu.memory_space<vmem>>)
    %add3A_44 = arith.constant 832 : i32
    %add3A_45 = arith.addi %mul3A_2, %add3A_44 : i32
    "tpu.region"() ({
      %run_scoped3A = tpu.sem_alloc : memref<!tpu.dma_semaphore, #tpu.memory_space<semaphore_mem>>
      %dma_start3A_101 = arith.constant 0 : i32
      %dma_start3A_102 = tpu.memref_slice %arg4[%add3A_45, %dma_start3A_101] : memref<106496x128xf32, #tpu.memory_space<hbm>> -> memref<416x128xf32, #tpu.memory_space<hbm>>
      %dma_start3A_103 = arith.constant 0 : i32
      %dma_start3A_104 = tpu.memref_slice %arg4[%add3A_45, %dma_start3A_103] : memref<106496x128xf32, #tpu.memory_space<hbm>> -> memref<416x128xf32, #tpu.memory_space<hbm>>
      tpu.enqueue_dma source(%arg6 : memref<416x128xf32, #tpu.memory_space<vmem>>) target(%dma_start3A_104 : memref<416x128xf32, #tpu.memory_space<hbm>>) target_semaphore(%run_scoped3A : memref<!tpu.dma_semaphore, #tpu.memory_space<semaphore_mem>>)
      %dma_wait3A_105 = arith.constant 0 : i32
      %dma_wait3A_106 = tpu.memref_slice %arg4[%add3A_45, %dma_wait3A_105] : memref<106496x128xf32, #tpu.memory_space<hbm>> -> memref<416x128xf32, #tpu.memory_space<hbm>>
      %dma_wait3A_107 = arith.constant 0 : i32
      %dma_wait3A_108 = tpu.memref_slice %arg4[%add3A_45, %dma_wait3A_107] : memref<106496x128xf32, #tpu.memory_space<hbm>> -> memref<416x128xf32, #tpu.memory_space<hbm>>
      tpu.wait_dma2 semaphore(%run_scoped3A : memref<!tpu.dma_semaphore, #tpu.memory_space<semaphore_mem>>) src(%arg6 : memref<416x128xf32, #tpu.memory_space<vmem>>) dst(%dma_wait3A_108 : memref<416x128xf32, #tpu.memory_space<hbm>>)
      tpu.yield
    }) : () -> ()
    %dma_start3A_46 = arith.constant 1664 : i32
    %dma_start3A_47 = tpu.memref_slice %arg5[%dma_start3A_46] : memref<3328xi32, #tpu.memory_space<vmem>> -> memref<416xi32, #tpu.memory_space<vmem>>
    %dma_start3A_48 = arith.constant 0 : i32
    %dma_start3A_49 = arith.constant 0 : i32
    %dma_start3A_50 = tpu.memref_slice %arg3[%dma_start3A_48, %dma_start3A_49] : memref<1000000x128xf32, #tpu.memory_space<hbm>> -> memref<1000000x128xf32, #tpu.memory_space<hbm>>
    tpu.enqueue_indirect_dma source(%dma_start3A_50 : memref<1000000x128xf32, #tpu.memory_space<hbm>>) target(%arg6 : memref<416x128xf32, #tpu.memory_space<vmem>>) offsets(%dma_start3A_47 : memref<416xi32, #tpu.memory_space<vmem>>) semaphore(%arg9 : memref<!tpu.dma_semaphore, #tpu.memory_space<semaphore_mem>>)
    %dma_wait3A_51 = arith.constant 1248 : i32
    %dma_wait3A_52 = tpu.memref_slice %arg5[%dma_wait3A_51] : memref<3328xi32, #tpu.memory_space<vmem>> -> memref<416xi32, #tpu.memory_space<vmem>>
    %dma_wait3A_53 = arith.constant 0 : i32
    %dma_wait3A_54 = arith.constant 0 : i32
    %dma_wait3A_55 = tpu.memref_slice %arg3[%dma_wait3A_53, %dma_wait3A_54] : memref<1000000x128xf32, #tpu.memory_space<hbm>> -> memref<1000000x128xf32, #tpu.memory_space<hbm>>
    tpu.wait_indirect_dma semaphore(%arg10 : memref<!tpu.dma_semaphore, #tpu.memory_space<semaphore_mem>>) src(%dma_wait3A_55 : memref<1000000x128xf32, #tpu.memory_space<hbm>>) dst(%arg7 : memref<416x128xf32, #tpu.memory_space<vmem>>)
    %add3A_56 = arith.constant 1248 : i32
    %add3A_57 = arith.addi %mul3A_2, %add3A_56 : i32
    "tpu.region"() ({
      %run_scoped3A = tpu.sem_alloc : memref<!tpu.dma_semaphore, #tpu.memory_space<semaphore_mem>>
      %dma_start3A_101 = arith.constant 0 : i32
      %dma_start3A_102 = tpu.memref_slice %arg4[%add3A_57, %dma_start3A_101] : memref<106496x128xf32, #tpu.memory_space<hbm>> -> memref<416x128xf32, #tpu.memory_space<hbm>>
      %dma_start3A_103 = arith.constant 0 : i32
      %dma_start3A_104 = tpu.memref_slice %arg4[%add3A_57, %dma_start3A_103] : memref<106496x128xf32, #tpu.memory_space<hbm>> -> memref<416x128xf32, #tpu.memory_space<hbm>>
      tpu.enqueue_dma source(%arg7 : memref<416x128xf32, #tpu.memory_space<vmem>>) target(%dma_start3A_104 : memref<416x128xf32, #tpu.memory_space<hbm>>) target_semaphore(%run_scoped3A : memref<!tpu.dma_semaphore, #tpu.memory_space<semaphore_mem>>)
      %dma_wait3A_105 = arith.constant 0 : i32
      %dma_wait3A_106 = tpu.memref_slice %arg4[%add3A_57, %dma_wait3A_105] : memref<106496x128xf32, #tpu.memory_space<hbm>> -> memref<416x128xf32, #tpu.memory_space<hbm>>
      %dma_wait3A_107 = arith.constant 0 : i32
      %dma_wait3A_108 = tpu.memref_slice %arg4[%add3A_57, %dma_wait3A_107] : memref<106496x128xf32, #tpu.memory_space<hbm>> -> memref<416x128xf32, #tpu.memory_space<hbm>>
      tpu.wait_dma2 semaphore(%run_scoped3A : memref<!tpu.dma_semaphore, #tpu.memory_space<semaphore_mem>>) src(%arg7 : memref<416x128xf32, #tpu.memory_space<vmem>>) dst(%dma_wait3A_108 : memref<416x128xf32, #tpu.memory_space<hbm>>)
      tpu.yield
    }) : () -> ()
    %dma_start3A_58 = arith.constant 2080 : i32
    %dma_start3A_59 = tpu.memref_slice %arg5[%dma_start3A_58] : memref<3328xi32, #tpu.memory_space<vmem>> -> memref<416xi32, #tpu.memory_space<vmem>>
    %dma_start3A_60 = arith.constant 0 : i32
    %dma_start3A_61 = arith.constant 0 : i32
    %dma_start3A_62 = tpu.memref_slice %arg3[%dma_start3A_60, %dma_start3A_61] : memref<1000000x128xf32, #tpu.memory_space<hbm>> -> memref<1000000x128xf32, #tpu.memory_space<hbm>>
    tpu.enqueue_indirect_dma source(%dma_start3A_62 : memref<1000000x128xf32, #tpu.memory_space<hbm>>) target(%arg7 : memref<416x128xf32, #tpu.memory_space<vmem>>) offsets(%dma_start3A_59 : memref<416xi32, #tpu.memory_space<vmem>>) semaphore(%arg10 : memref<!tpu.dma_semaphore, #tpu.memory_space<semaphore_mem>>)
    %dma_wait3A_63 = arith.constant 1664 : i32
    %dma_wait3A_64 = tpu.memref_slice %arg5[%dma_wait3A_63] : memref<3328xi32, #tpu.memory_space<vmem>> -> memref<416xi32, #tpu.memory_space<vmem>>
    %dma_wait3A_65 = arith.constant 0 : i32
    %dma_wait3A_66 = arith.constant 0 : i32
    %dma_wait3A_67 = tpu.memref_slice %arg3[%dma_wait3A_65, %dma_wait3A_66] : memref<1000000x128xf32, #tpu.memory_space<hbm>> -> memref<1000000x128xf32, #tpu.memory_space<hbm>>
    tpu.wait_indirect_dma semaphore(%arg9 : memref<!tpu.dma_semaphore, #tpu.memory_space<semaphore_mem>>) src(%dma_wait3A_67 : memref<1000000x128xf32, #tpu.memory_space<hbm>>) dst(%arg6 : memref<416x128xf32, #tpu.memory_space<vmem>>)
    %add3A_68 = arith.constant 1664 : i32
    %add3A_69 = arith.addi %mul3A_2, %add3A_68 : i32
    "tpu.region"() ({
      %run_scoped3A = tpu.sem_alloc : memref<!tpu.dma_semaphore, #tpu.memory_space<semaphore_mem>>
      %dma_start3A_101 = arith.constant 0 : i32
      %dma_start3A_102 = tpu.memref_slice %arg4[%add3A_69, %dma_start3A_101] : memref<106496x128xf32, #tpu.memory_space<hbm>> -> memref<416x128xf32, #tpu.memory_space<hbm>>
      %dma_start3A_103 = arith.constant 0 : i32
      %dma_start3A_104 = tpu.memref_slice %arg4[%add3A_69, %dma_start3A_103] : memref<106496x128xf32, #tpu.memory_space<hbm>> -> memref<416x128xf32, #tpu.memory_space<hbm>>
      tpu.enqueue_dma source(%arg6 : memref<416x128xf32, #tpu.memory_space<vmem>>) target(%dma_start3A_104 : memref<416x128xf32, #tpu.memory_space<hbm>>) target_semaphore(%run_scoped3A : memref<!tpu.dma_semaphore, #tpu.memory_space<semaphore_mem>>)
      %dma_wait3A_105 = arith.constant 0 : i32
      %dma_wait3A_106 = tpu.memref_slice %arg4[%add3A_69, %dma_wait3A_105] : memref<106496x128xf32, #tpu.memory_space<hbm>> -> memref<416x128xf32, #tpu.memory_space<hbm>>
      %dma_wait3A_107 = arith.constant 0 : i32
      %dma_wait3A_108 = tpu.memref_slice %arg4[%add3A_69, %dma_wait3A_107] : memref<106496x128xf32, #tpu.memory_space<hbm>> -> memref<416x128xf32, #tpu.memory_space<hbm>>
      tpu.wait_dma2 semaphore(%run_scoped3A : memref<!tpu.dma_semaphore, #tpu.memory_space<semaphore_mem>>) src(%arg6 : memref<416x128xf32, #tpu.memory_space<vmem>>) dst(%dma_wait3A_108 : memref<416x128xf32, #tpu.memory_space<hbm>>)
      tpu.yield
    }) : () -> ()
    %dma_start3A_70 = arith.constant 2496 : i32
    %dma_start3A_71 = tpu.memref_slice %arg5[%dma_start3A_70] : memref<3328xi32, #tpu.memory_space<vmem>> -> memref<416xi32, #tpu.memory_space<vmem>>
    %dma_start3A_72 = arith.constant 0 : i32
    %dma_start3A_73 = arith.constant 0 : i32
    %dma_start3A_74 = tpu.memref_slice %arg3[%dma_start3A_72, %dma_start3A_73] : memref<1000000x128xf32, #tpu.memory_space<hbm>> -> memref<1000000x128xf32, #tpu.memory_space<hbm>>
    tpu.enqueue_indirect_dma source(%dma_start3A_74 : memref<1000000x128xf32, #tpu.memory_space<hbm>>) target(%arg6 : memref<416x128xf32, #tpu.memory_space<vmem>>) offsets(%dma_start3A_71 : memref<416xi32, #tpu.memory_space<vmem>>) semaphore(%arg9 : memref<!tpu.dma_semaphore, #tpu.memory_space<semaphore_mem>>)
    %dma_wait3A_75 = arith.constant 2080 : i32
    %dma_wait3A_76 = tpu.memref_slice %arg5[%dma_wait3A_75] : memref<3328xi32, #tpu.memory_space<vmem>> -> memref<416xi32, #tpu.memory_space<vmem>>
    %dma_wait3A_77 = arith.constant 0 : i32
    %dma_wait3A_78 = arith.constant 0 : i32
    %dma_wait3A_79 = tpu.memref_slice %arg3[%dma_wait3A_77, %dma_wait3A_78] : memref<1000000x128xf32, #tpu.memory_space<hbm>> -> memref<1000000x128xf32, #tpu.memory_space<hbm>>
    tpu.wait_indirect_dma semaphore(%arg10 : memref<!tpu.dma_semaphore, #tpu.memory_space<semaphore_mem>>) src(%dma_wait3A_79 : memref<1000000x128xf32, #tpu.memory_space<hbm>>) dst(%arg7 : memref<416x128xf32, #tpu.memory_space<vmem>>)
    %add3A_80 = arith.constant 2080 : i32
    %add3A_81 = arith.addi %mul3A_2, %add3A_80 : i32
    "tpu.region"() ({
      %run_scoped3A = tpu.sem_alloc : memref<!tpu.dma_semaphore, #tpu.memory_space<semaphore_mem>>
      %dma_start3A_101 = arith.constant 0 : i32
      %dma_start3A_102 = tpu.memref_slice %arg4[%add3A_81, %dma_start3A_101] : memref<106496x128xf32, #tpu.memory_space<hbm>> -> memref<416x128xf32, #tpu.memory_space<hbm>>
      %dma_start3A_103 = arith.constant 0 : i32
      %dma_start3A_104 = tpu.memref_slice %arg4[%add3A_81, %dma_start3A_103] : memref<106496x128xf32, #tpu.memory_space<hbm>> -> memref<416x128xf32, #tpu.memory_space<hbm>>
      tpu.enqueue_dma source(%arg7 : memref<416x128xf32, #tpu.memory_space<vmem>>) target(%dma_start3A_104 : memref<416x128xf32, #tpu.memory_space<hbm>>) target_semaphore(%run_scoped3A : memref<!tpu.dma_semaphore, #tpu.memory_space<semaphore_mem>>)
      %dma_wait3A_105 = arith.constant 0 : i32
      %dma_wait3A_106 = tpu.memref_slice %arg4[%add3A_81, %dma_wait3A_105] : memref<106496x128xf32, #tpu.memory_space<hbm>> -> memref<416x128xf32, #tpu.memory_space<hbm>>
      %dma_wait3A_107 = arith.constant 0 : i32
      %dma_wait3A_108 = tpu.memref_slice %arg4[%add3A_81, %dma_wait3A_107] : memref<106496x128xf32, #tpu.memory_space<hbm>> -> memref<416x128xf32, #tpu.memory_space<hbm>>
      tpu.wait_dma2 semaphore(%run_scoped3A : memref<!tpu.dma_semaphore, #tpu.memory_space<semaphore_mem>>) src(%arg7 : memref<416x128xf32, #tpu.memory_space<vmem>>) dst(%dma_wait3A_108 : memref<416x128xf32, #tpu.memory_space<hbm>>)
      tpu.yield
    }) : () -> ()
    %dma_start3A_82 = arith.constant 2912 : i32
    %dma_start3A_83 = tpu.memref_slice %arg5[%dma_start3A_82] : memref<3328xi32, #tpu.memory_space<vmem>> -> memref<416xi32, #tpu.memory_space<vmem>>
    %dma_start3A_84 = arith.constant 0 : i32
    %dma_start3A_85 = arith.constant 0 : i32
    %dma_start3A_86 = tpu.memref_slice %arg3[%dma_start3A_84, %dma_start3A_85] : memref<1000000x128xf32, #tpu.memory_space<hbm>> -> memref<1000000x128xf32, #tpu.memory_space<hbm>>
    tpu.enqueue_indirect_dma source(%dma_start3A_86 : memref<1000000x128xf32, #tpu.memory_space<hbm>>) target(%arg7 : memref<416x128xf32, #tpu.memory_space<vmem>>) offsets(%dma_start3A_83 : memref<416xi32, #tpu.memory_space<vmem>>) semaphore(%arg10 : memref<!tpu.dma_semaphore, #tpu.memory_space<semaphore_mem>>)
    %dma_wait3A_87 = arith.constant 2496 : i32
    %dma_wait3A_88 = tpu.memref_slice %arg5[%dma_wait3A_87] : memref<3328xi32, #tpu.memory_space<vmem>> -> memref<416xi32, #tpu.memory_space<vmem>>
    %dma_wait3A_89 = arith.constant 0 : i32
    %dma_wait3A_90 = arith.constant 0 : i32
    %dma_wait3A_91 = tpu.memref_slice %arg3[%dma_wait3A_89, %dma_wait3A_90] : memref<1000000x128xf32, #tpu.memory_space<hbm>> -> memref<1000000x128xf32, #tpu.memory_space<hbm>>
    tpu.wait_indirect_dma semaphore(%arg9 : memref<!tpu.dma_semaphore, #tpu.memory_space<semaphore_mem>>) src(%dma_wait3A_91 : memref<1000000x128xf32, #tpu.memory_space<hbm>>) dst(%arg6 : memref<416x128xf32, #tpu.memory_space<vmem>>)
    %add3A_92 = arith.constant 2496 : i32
    %add3A_93 = arith.addi %mul3A_2, %add3A_92 : i32
    "tpu.region"() ({
      %run_scoped3A = tpu.sem_alloc : memref<!tpu.dma_semaphore, #tpu.memory_space<semaphore_mem>>
      %dma_start3A_101 = arith.constant 0 : i32
      %dma_start3A_102 = tpu.memref_slice %arg4[%add3A_93, %dma_start3A_101] : memref<106496x128xf32, #tpu.memory_space<hbm>> -> memref<416x128xf32, #tpu.memory_space<hbm>>
      %dma_start3A_103 = arith.constant 0 : i32
      %dma_start3A_104 = tpu.memref_slice %arg4[%add3A_93, %dma_start3A_103] : memref<106496x128xf32, #tpu.memory_space<hbm>> -> memref<416x128xf32, #tpu.memory_space<hbm>>
      tpu.enqueue_dma source(%arg6 : memref<416x128xf32, #tpu.memory_space<vmem>>) target(%dma_start3A_104 : memref<416x128xf32, #tpu.memory_space<hbm>>) target_semaphore(%run_scoped3A : memref<!tpu.dma_semaphore, #tpu.memory_space<semaphore_mem>>)
      %dma_wait3A_105 = arith.constant 0 : i32
      %dma_wait3A_106 = tpu.memref_slice %arg4[%add3A_93, %dma_wait3A_105] : memref<106496x128xf32, #tpu.memory_space<hbm>> -> memref<416x128xf32, #tpu.memory_space<hbm>>
      %dma_wait3A_107 = arith.constant 0 : i32
      %dma_wait3A_108 = tpu.memref_slice %arg4[%add3A_93, %dma_wait3A_107] : memref<106496x128xf32, #tpu.memory_space<hbm>> -> memref<416x128xf32, #tpu.memory_space<hbm>>
      tpu.wait_dma2 semaphore(%run_scoped3A : memref<!tpu.dma_semaphore, #tpu.memory_space<semaphore_mem>>) src(%arg6 : memref<416x128xf32, #tpu.memory_space<vmem>>) dst(%dma_wait3A_108 : memref<416x128xf32, #tpu.memory_space<hbm>>)
      tpu.yield
    }) : () -> ()
    %dma_wait3A_94 = arith.constant 2912 : i32
    %dma_wait3A_95 = tpu.memref_slice %arg5[%dma_wait3A_94] : memref<3328xi32, #tpu.memory_space<vmem>> -> memref<416xi32, #tpu.memory_space<vmem>>
    %dma_wait3A_96 = arith.constant 0 : i32
    %dma_wait3A_97 = arith.constant 0 : i32
    %dma_wait3A_98 = tpu.memref_slice %arg3[%dma_wait3A_96, %dma_wait3A_97] : memref<1000000x128xf32, #tpu.memory_space<hbm>> -> memref<1000000x128xf32, #tpu.memory_space<hbm>>
    tpu.wait_indirect_dma semaphore(%arg10 : memref<!tpu.dma_semaphore, #tpu.memory_space<semaphore_mem>>) src(%dma_wait3A_98 : memref<1000000x128xf32, #tpu.memory_space<hbm>>) dst(%arg7 : memref<416x128xf32, #tpu.memory_space<vmem>>)
    %add3A_99 = arith.constant 2912 : i32
    %add3A_100 = arith.addi %mul3A_2, %add3A_99 : i32
    "tpu.region"() ({
      %run_scoped3A = tpu.sem_alloc : memref<!tpu.dma_semaphore, #tpu.memory_space<semaphore_mem>>
      %dma_start3A_101 = arith.constant 0 : i32
      %dma_start3A_102 = tpu.memref_slice %arg4[%add3A_100, %dma_start3A_101] : memref<106496x128xf32, #tpu.memory_space<hbm>> -> memref<416x128xf32, #tpu.memory_space<hbm>>
      %dma_start3A_103 = arith.constant 0 : i32
      %dma_start3A_104 = tpu.memref_slice %arg4[%add3A_100, %dma_start3A_103] : memref<106496x128xf32, #tpu.memory_space<hbm>> -> memref<416x128xf32, #tpu.memory_space<hbm>>
      tpu.enqueue_dma source(%arg7 : memref<416x128xf32, #tpu.memory_space<vmem>>) target(%dma_start3A_104 : memref<416x128xf32, #tpu.memory_space<hbm>>) target_semaphore(%run_scoped3A : memref<!tpu.dma_semaphore, #tpu.memory_space<semaphore_mem>>)
      %dma_wait3A_105 = arith.constant 0 : i32
      %dma_wait3A_106 = tpu.memref_slice %arg4[%add3A_100, %dma_wait3A_105] : memref<106496x128xf32, #tpu.memory_space<hbm>> -> memref<416x128xf32, #tpu.memory_space<hbm>>
      %dma_wait3A_107 = arith.constant 0 : i32
      %dma_wait3A_108 = tpu.memref_slice %arg4[%add3A_100, %dma_wait3A_107] : memref<106496x128xf32, #tpu.memory_space<hbm>> -> memref<416x128xf32, #tpu.memory_space<hbm>>
      tpu.wait_dma2 semaphore(%run_scoped3A : memref<!tpu.dma_semaphore, #tpu.memory_space<semaphore_mem>>) src(%arg7 : memref<416x128xf32, #tpu.memory_space<vmem>>) dst(%dma_wait3A_108 : memref<416x128xf32, #tpu.memory_space<hbm>>)
      tpu.yield
    }) : () -> ()
    return
  }
}

</mosaic_0001>

<sc_bundles>
// kernel: kernel.3.cloned.1.call-start
scs
__scs_entry_jumppad:
0x0: {  	(pc) =	sbr.rel $0x88, $3  }
0x1: {  	(tag) =	ssettag $0x0;
	lr =	simm.s32 $0x1  }
0x2: {  	[smem:$0x3F9F] =	sst lr;
	_ =	strace $0xD0000000  }
0x3: {  	_ = 	snop  }
0x4: {  	_ = 	snop  }
0x5: {  	_ = 	snop  }
0x6: {  	_ = 	snop  }
0x7: {  	_ = 	snop  }
__scs_overlays_trampoline_lowered:
0x8: {  	[smem:$0x3FAE] =	sst s0  }
0x9: {  	[smem:$0x3FAF] =	sst s1  }
0xa: {  	[smem:$0x3FB0] =	sst s2  }
0xb: {  	[smem:$0x3FB1] =	sst s3  }
0xc: {  	[smem:$0x3FB2] =	sst s4  }
0xd: {  	[smem:$0x3FB3] =	sst s5  }
0xe: {  	[smem:$0x3FB4] =	sst s6  }
0xf: {  	[smem:$0x3FB5] =	sst s7  }
0x10: {  	[smem:$0x3FB6] =	sst s8  }
0x11: {  	[smem:$0x3FB7] =	sst s9;
	s0 =	simm.s32 @!p0 $0x0  }
0x12: {  	s1 =	sld [smem:$0x3F9D];
	s0 =	simm.s32 @p0 $0x1  }
0x13: {  	[smem:$0x3FB8] =	sst s0;
	s0 =	simm.s32 @!p1 $0x0  }
0x14: {  	s2 =	sld [smem:$0x3F9C];
	s0 =	simm.s32 @p1 $0x1  }
0x15: {  	[smem:$0x3FB9] =	sst s0;
	s0 =	simm.s32 @!p2 $0x0  }
0x16: {  	s3 =	sld [smem:$0x3FDB];
	s0 =	simm.s32 @p2 $0x1  }
0x17: {  	s4 =	simm.s32 $0x1BF5;
	[smem:$0x3FBB] =	sst s0  }
0x18: {  	s0 =	sld [smem:$0x3F9E];
	_ =	swait.ge [sflag:s4], $0x0  }
0x19: {  	s7 =	sld [smem:$0x3F9F]  }
0x1a: {  	s8 =	sadd.s32 $0xFFFFE003, lr  }
0x1b: {  	s9 =	sadd.s32 $0xFFFFFEF7, lr;
	s5 =	simm.s32 $0xFFFFFFFF;
	p2 =	slt.u32 s8, $0xFFFFF086  }
0x1c: {  	p1 =	slt.u32 s9, $0xF7A;
	s5 =	simm.s32 @!p2 $0x0  }
0x1d: {  	s5 =	simm.s32 @p1 $0x1;
	p0 =	seq.s32 s7, s2  }
0x1e: {  	s7 =	smul.u32 @!p0 $0xF7A, s2;
	p2 =	seq.s32 @!p0 s5, $0x0  }
0x1f: {  	s9 =	smul.u32 $0xF7A, s1;
	s8 =	simm.s32 @!p0 $0x1BF5;
	p2 =	por !p2, p0  }
0x20: {  	[sflag:s8] =	ssyncset.s32 @!p0 $0xFFFFF086;
	s6 =	sadd.s32 @!p0 s3, s7;
	s7 =	simm.s32 @!p0 $0x108  }
0x21: {  	s3 =	sadd.s32 s3, s9;
	s6 =	sadd.s32 @!p0 $0x88, s6;
	s7 =	simm.s32 @p2 $0x1082  }
0x22: {  	[simem:s7], [sflag:s8] =	dma.local @!p0 [hbm:s6], $0xF7A  }
0x23: {  	s9 =	sor.u32 $0xD0000000, s2;
	s6 =	simm.s32 $0x108;
	_ =	swait.ge @!p0 [sflag:s8], $0x0  }
0x24: {  	s3 =	sadd.s32 $0x88, s3;
	s6 =	simm.s32 @!p1 $0x1082;
	[sflag:s4] =	ssyncset.s32 $0xFFFFF086  }
0x25: {  	[simem:s6], [sflag:s4] =	dma.local [hbm:s3], $0xF7A  }
0x26: {  	[smem:$0x3F9F] =	sst s1;
	(tag) =	ssettag s2;
	_ =	strace s9  }
0x27: {  	s1 =	sld [smem:$0x3FAF]  }
0x28: {  	s2 =	sld [smem:$0x3FB0]  }
0x29: {  	s4 =	sld [smem:$0x3FB2]  }
0x2a: {  	p0 =	seq.s32 s5, $0x0;
	s5 =	sld [smem:$0x3FB3]  }
0x2b: {  	s6 =	sld [smem:$0x3FB4]  }
0x2c: {  	s7 =	sld [smem:$0x3FB5]  }
0x2d: {  	s3 =	simm.s32 $0x108;
	s8 =	sld [smem:$0x3FB6]  }
0x2e: {  	s3 =	simm.s32 @!p0 $0x1082;
	s9 =	sld [smem:$0x3FB7]  }
0x2f: {  	lr =	sadd.s32 s0, s3;
	s0 =	sld [smem:$0x3FAE]  }
0x30: {  	s3 =	sld [smem:$0x3FB1]  }
0x31: {  	[smem:$0x3FBA] =	sst s10  }
0x32: {  	s10 =	sld [smem:$0x3FB8];
	_ =	sdelay $0x3  }
0x33: {  	p0 =	seq.s32 s10, $0x1;
	s10 =	sld [smem:$0x3FBA];
	_ =	sdelay $0x3  }
0x34: {  	[smem:$0x3FBA] =	sst s10  }
0x35: {  	s10 =	sld [smem:$0x3FB9];
	_ =	sdelay $0x3  }
0x36: {  	p1 =	seq.s32 s10, $0x1;
	s10 =	sld [smem:$0x3FBA];
	_ =	sdelay $0x3  }
0x37: {  	[smem:$0x3FBA] =	sst s10  }
0x38: {  	s10 =	sld [smem:$0x3FBB]  }
0x39: {  	_ = 	snop;
	(pc) =	sbr.ind lr, $3  }
0x3a: {  	_ = 	snop  }
0x3b: {  	_ = 	snop  }
0x3c: {  	p2 =	seq.s32 s10, $0x1;
	s10 =	sld [smem:$0x3FBA]  }
0x3d: {  	_ =	shalt  }
0x3e: {  	_ =	shalt  }
0x3f: {  	_ =	shalt  }
0x40: {  	_ =	shalt  }
0x41: {  	_ =	shalt  }
0x42: {  	_ =	shalt  }
0x43: {  	_ =	shalt  }
0x44: {  	_ =	shalt  }
0x45: {  	_ =	shalt  }
0x46: {  	_ =	shalt  }
0x47: {  	_ =	shalt  }
0x48: {  	_ =	shalt  }
0x49: {  	_ =	shalt  }
0x4a: {  	_ =	shalt  }
0x4b: {  	_ =	shalt  }
0x4c: {  	_ =	shalt  }
0x4d: {  	_ =	shalt  }
0x4e: {  	_ =	shalt  }
0x4f: {  	_ =	shalt  }
0x50: {  	_ =	shalt  }
0x51: {  	_ =	shalt  }
0x52: {  	_ =	shalt  }
0x53: {  	_ =	shalt  }
0x54: {  	_ =	shalt  }
0x55: {  	_ =	shalt  }
0x56: {  	_ =	shalt  }
0x57: {  	_ =	shalt  }
0x58: {  	_ =	shalt  }
0x59: {  	_ =	shalt  }
0x5a: {  	_ =	shalt  }
0x5b: {  	_ =	shalt  }
0x5c: {  	_ =	shalt  }
0x5d: {  	_ =	shalt  }
0x5e: {  	_ =	shalt  }
0x5f: {  	_ =	shalt  }
0x60: {  	_ =	shalt  }
0x61: {  	_ =	shalt  }
0x62: {  	_ =	shalt  }
0x63: {  	_ =	shalt  }
0x64: {  	_ =	shalt  }
0x65: {  	_ =	shalt  }
0x66: {  	_ =	shalt  }
0x67: {  	_ =	shalt  }
0x68: {  	_ =	shalt  }
0x69: {  	_ =	shalt  }
0x6a: {  	_ =	shalt  }
0x6b: {  	_ =	shalt  }
0x6c: {  	_ =	shalt  }
0x6d: {  	_ =	shalt  }
0x6e: {  	_ =	shalt  }
0x6f: {  	_ =	shalt  }
0x70: {  	_ =	shalt  }
0x71: {  	_ =	shalt  }
0x72: {  	_ =	shalt  }
0x73: {  	_ =	shalt  }
0x74: {  	_ =	shalt  }
0x75: {  	_ =	shalt  }
0x76: {  	_ =	shalt  }
0x77: {  	_ =	shalt  }
0x78: {  	_ =	shalt  }
0x79: {  	_ =	shalt  }
0x7a: {  	_ =	shalt  }
0x7b: {  	_ =	shalt  }
0x7c: {  	_ =	shalt  }
0x7d: {  	_ =	shalt  }
0x7e: {  	_ =	shalt  }
0x7f: {  	_ =	shalt  }
0x80: {  	_ =	shalt  }
0x81: {  	_ =	shalt  }
0x82: {  	_ =	shalt  }
0x83: {  	_ =	shalt  }
0x84: {  	_ =	shalt  }
0x85: {  	_ =	shalt  }
0x86: {  	_ =	shalt  }
0x87: {  	_ =	shalt  }
.Lfunc_end0:
.L_simem_size_0:
called_computation_lowered:
.L_overlay_start_0:
0x88: {  	s2 =	sld [smem:$0x3FD9]  }
0x89: {  	s3 =	sld [smem:$0x3FFE];
	_ =	sdelay $0x1  }
0x8a: {  	s1 =	srdreg.scid  }
0x8b: {  	s0 =	sand.u32 $0x1, s1  }
0x8c: {  	s17 =	sshll.u32 s0, $0xA;
	s2 =	sadd.s32 s3, s2  }
0x8d: {  	s2 =	sadd.s32 s2, s17  }
0x8e: {  	[smem:$0x3FC6] =	sst s2  }
0x8f: {  	_ = 	snop  }
0x90: {  	s2 =	sld [smem:$0x3FD0];
	(tm) =	ssettm $0x1  }
0x91: {  	s18 =	sld [smem:$0x3FFB];
	_ =	sdelay $0x3  }
0x92: {  	_ =	strace s18  }
0x93: {  	s3 =	sld [smem:$0x3FFC];
	_ =	sdelay $0x3  }
0x94: {  	_ =	strace s3  }
0x95: {  	s3 =	sld [smem:$0x3FFD];
	_ =	sdelay $0x3  }
0x96: {  	_ =	strace s3  }
0x97: {  	_ =	strace $0x8FFFFFFF  }
0x98: {  	s19 =	sld [smem:$0x3FDB];
	_ =	sdelay $0x1  }
0x99: {  	s4 =	simm.s32 $_scs_section_size  }
0x9a: {  	s5 =	simm.s32 $_size__tile_overlayer_lowered;
	s6 =	simm.s32 $_tile_overlayer_lowered  }
0x9b: {  	s22 =	simm.s32 $0x1BFF;
	s21 =	sshll.u32 s6, $0x1;
	s3 =	sadd.s32 s4, s19  }
0x9c: {  	s7 =	simm.s32 $0x0;
	s20 =	sshll.u32 s5, $0x1;
	s5 =	sadd.s32 s21, s3  }
0x9d: {  	[timem:s7], [sflag:s22] =	dma.local [hbm:s5], s20  }
0x9e: {  	_ =	swait.ge [sflag:s22], s20  }
0x9f: {  	s4 =	ssub.s32 $0x0, s20;
	[sflag:s22] =	ssyncset.done $0x0  }
0xa0: {  	[sflag:s22] =	ssyncadd.s32 s4;
	_ =	sdelay $0x1  }
0xa1: {  	s23 =	simm.s32 $0x1B8B  }
0xa2: {  	_ =	swait.ge [sflag:s23], $0x1  }
0xa3: {  	[sflag:s23] =	ssyncset.done $0x0  }
0xa4: {  	s25 =	simm.s32 $0x1B8E;
	s24 =	sld [smem:$0x3FFE];
	[sflag:s23] =	ssyncadd.s32 $0xFFFFFFFF  }
0xa5: {  	s26 =	simm.s32 $execute0_lowered;
	[smem:$0x3FD2] =	sst s25  }
0xa6: {  	s5 =	sshll.u32 s26, $0x1;
	_ =	strace $0x80000046;
	[dreg:$0x1] =	wrdreg $0xFFFFFFFF  }
0xa7: {  	s28 =	simm.s32 $_size_execute0_lowered;
	s3 =	sadd.s32 s3, s5;
	[dreg:$0x0] =	wrdreg $0x0  }
0xa8: {  	s5 =	sshll.u32 s28, $0x1;
	[dreg:$0x2] =	wrdreg s3  }
0xa9: {  	[dreg:$0x3] =	wrdreg s5  }
0xaa: {  	[dreg:$0x4] =	wrdreg $0xC0  }
0xab: {  	_ =	task [dreg:s7], $0x5FFFF  }
0xac: {  	[dreg:$0x1] =	wrdreg $0xFFFFFFFF  }
0xad: {  	[dreg:$0x0] =	wrdreg $0x60  }
0xae: {  	[dreg:$0x2] =	wrdreg s2  }
0xaf: {  	[dreg:$0x3] =	wrdreg s24  }
0xb0: {  	[dreg:$0x4] =	wrdreg $0x9  }
0xb1: {  	_ =	task.clear_ibuf [dreg:s7], $0x5FFFF;
	_ =	strace $0x90000046  }
0xb2: {  	s29 =	simm.s32 $0x9;
	_ =	strace $0x80000048  }
0xb3: {  	_ =	swait.ge [sflag:s29], $0x1  }
0xb4: {  	[sflag:s29] =	ssyncadd.s32 $0xFFFFFFFF  }
0xb5: {  	_ =	strace $0x90000048  }
0xb6: {  	_ =	sfence  }
0xb7: {  	s30 =	sld [smem:$0x0];
	_ =	sdelay $0x2  }
0xb8: {  	s31 =	sshll.u32 s1, $0xD;
	s1 =	sshrl.u32 s1, $0x2  }
0xb9: {  	s3 =	sand.u32 $0x4000, s31;
	s1 =	sadd.s32 s1, s30  }
0xba: {  	s0 =	sor.u32 s3, s0;
	s1 =	sshll.u32 s1, $0x11  }
0xbb: {  	s0 =	sor.u32 s1, s0  }
0xbc: {  	s0 =	sadd.s32 $0x8F2B, s0  }
0xbd: {  	[sflag:s0] =	ssyncadd.remote.s32 $0x1  }
0xbe: {  	_ =	sfence.sel $0xFFFF  }
0xbf: {  	[dreg:$0x0] =	wrdreg $0xFFFFFFFF;
	(pc) =	sbr.abs _section_cstart, $3  }
0xc0: {  	[dreg:$0x1] =	wrdreg $0xFFFFFFFF  }
0xc1: {  	_ =	task.clear_ibuf [dreg:s7], $0x2FFFF;
	_ =	strace $0x9FFFFFFF  }
0xc2: {  	(tm) =	ssettm $0x7FFFFFFF  }
0xc3: {  	_ =	shalt  }
tec
execute0_lowered:
.L_overlay_start_1:
0x0: {  	(tag) =	ssettag $0x1  }
0x1: {  	s1 =	srdreg.scid;
	s0 =	stileid.u32  }
0x2: {  	s3 =	rddreg [dreg:$0x0];
	s25 =	sand.u32 $0x1, s1;
	s30 =	sshll.u32 s0, $0x1  }
0x3: {  	s10 =	rddreg [dreg:$0x1];
	s12 =	sor.u32 s25, s30  }
0x4: {  	s2 =	simm.s32 $0x0;
	s1 =	rddreg [dreg:$0x2];
	s4 =	smul.u32 $0x1A0, s12  }
0x5: {  	[smem:$0x7FF] =	sst s2  }
0x6: {  	_ =	strace $0x80000047;
	s3 =	sadd.s32 s3, s4;
	s4 =	simm.s32 $0x1  }
0x7: {  	[tilespmem:s2], [sflag:$0x1] =	stream.linear.gather [hbm4b:s3+s2], $0xD00, $0x38;
	[tilespmem:$0x1AD00] =	vst v63  }
0x8: {  	_ =	swait.ge [sflag:s4], $0xD00  }
0x9: {  	s6 =	simm.s32 $0x1A0;
	[sflag:s4] =	ssyncset.done $0x0  }
0xa: {  	s7 =	simm.s32 $0xD00;
	s5 =	sadd.s32 $0xF42A00, s10;
	[sflag:s4] =	ssyncadd.s32 $0xFFFFF300  }
0xb: {  	[tilespmem:s7], [sflag:$0x2] =	stream.indirect.gather [hbm4b:s5+s6], $0x80, s2, s6, $0xb8;
	[tilespmem:$0x1AD00] =	vst v63  }
0xc: {  	s8 =	simm.s32 $0xDD00;
	s9 =	simm.s32 $0x2  }
0xd: {  	[tilespmem:s8], [sflag:$0x3] =	stream.indirect.gather [hbm4b:s5+s6], $0x80, s6, s6, $0xb8;
	[tilespmem:$0x1AD00] =	vst v63  }
0xe: {  	s11 =	smul.u32 $0xD000, s12;
	_ =	swait.ge [sflag:s9], $0xD000  }
0xf: {  	s14 =	sadd.s32 $0x600, s10;
	[sflag:s9] =	ssyncset.done $0x0  }
0x10: {  	s10 =	simm.s32 $0x4;
	s11 =	sadd.s32 s14, s11;
	[sflag:s9] =	ssyncadd.s32 $0xFFFF3000  }
0x11: {  	[hbm4b:s11+s2] =	stream.linear.scatter [tilespmem:s7], [sflag:$0x4], $0xD000, $0x38;
	[tilespmem:$0x1AD00] =	vst v63  }
0x12: {  	_ =	swait.ge [sflag:s10], $0xD000  }
0x13: {  	s13 =	simm.s32 $0x3;
	[sflag:s10] =	ssyncset.done $0x0  }
0x14: {  	s15 =	smul.u32 $0x68000, s12;
	s12 =	simm.s32 $0x340;
	[sflag:s10] =	ssyncadd.s32 $0xFFFF3000  }
0x15: {  	[tilespmem:s7], [sflag:$0x2] =	stream.indirect.gather [hbm4b:s5+s6], $0x80, s12, s6, $0xb8;
	[tilespmem:$0x1AD00] =	vst v63  }
0x16: {  	s15 =	sshrl.u32 s15, $0x3;
	_ =	swait.ge [sflag:s13], $0xD000  }
0x17: {  	s26 =	sadd.s32 s14, s15;
	[sflag:s13] =	ssyncset.done $0x0  }
0x18: {  	s14 =	sadd.s32 $0x1A00, s26;
	[sflag:s13] =	ssyncadd.s32 $0xFFFF3000  }
0x19: {  	[hbm4b:s14+s2] =	stream.linear.scatter [tilespmem:s8], [sflag:$0x4], $0xD000, $0x38;
	[tilespmem:$0x1AD00] =	vst v63  }
0x1a: {  	_ =	swait.ge [sflag:s10], $0xD000  }
0x1b: {  	[sflag:s10] =	ssyncset.done $0x0  }
0x1c: {  	s15 =	simm.s32 $0x4E0;
	[sflag:s10] =	ssyncadd.s32 $0xFFFF3000  }
0x1d: {  	[tilespmem:s8], [sflag:$0x3] =	stream.indirect.gather [hbm4b:s5+s6], $0x80, s15, s6, $0xb8;
	[tilespmem:$0x1AD00] =	vst v63  }
0x1e: {  	_ =	swait.ge [sflag:s9], $0xD000  }
0x1f: {  	[sflag:s9] =	ssyncset.done $0x0  }
0x20: {  	s16 =	sadd.s32 $0x3400, s26;
	[sflag:s9] =	ssyncadd.s32 $0xFFFF3000  }
0x21: {  	[hbm4b:s16+s2] =	stream.linear.scatter [tilespmem:s7], [sflag:$0x4], $0xD000, $0x38;
	[tilespmem:$0x1AD00] =	vst v63  }
0x22: {  	_ =	swait.ge [sflag:s10], $0xD000  }
0x23: {  	[sflag:s10] =	ssyncset.done $0x0  }
0x24: {  	s17 =	simm.s32 $0x680;
	[sflag:s10] =	ssyncadd.s32 $0xFFFF3000  }
0x25: {  	[tilespmem:s7], [sflag:$0x2] =	stream.indirect.gather [hbm4b:s5+s6], $0x80, s17, s6, $0xb8;
	[tilespmem:$0x1AD00] =	vst v63  }
0x26: {  	_ =	swait.ge [sflag:s13], $0xD000  }
0x27: {  	[sflag:s13] =	ssyncset.done $0x0  }
0x28: {  	s18 =	sadd.s32 $0x4E00, s26;
	[sflag:s13] =	ssyncadd.s32 $0xFFFF3000  }
0x29: {  	[hbm4b:s18+s2] =	stream.linear.scatter [tilespmem:s8], [sflag:$0x4], $0xD000, $0x38;
	[tilespmem:$0x1AD00] =	vst v63  }
0x2a: {  	_ =	swait.ge [sflag:s10], $0xD000  }
0x2b: {  	[sflag:s10] =	ssyncset.done $0x0  }
0x2c: {  	s19 =	simm.s32 $0x820;
	[sflag:s10] =	ssyncadd.s32 $0xFFFF3000  }
0x2d: {  	[tilespmem:s8], [sflag:$0x3] =	stream.indirect.gather [hbm4b:s5+s6], $0x80, s19, s6, $0xb8;
	[tilespmem:$0x1AD00] =	vst v63  }
0x2e: {  	_ =	swait.ge [sflag:s9], $0xD000  }
0x2f: {  	[sflag:s9] =	ssyncset.done $0x0  }
0x30: {  	s20 =	sadd.s32 $0x6800, s26;
	[sflag:s9] =	ssyncadd.s32 $0xFFFF3000  }
0x31: {  	[hbm4b:s20+s2] =	stream.linear.scatter [tilespmem:s7], [sflag:$0x4], $0xD000, $0x38;
	[tilespmem:$0x1AD00] =	vst v63  }
0x32: {  	_ =	swait.ge [sflag:s10], $0xD000  }
0x33: {  	[sflag:s10] =	ssyncset.done $0x0  }
0x34: {  	s21 =	simm.s32 $0x9C0;
	[sflag:s10] =	ssyncadd.s32 $0xFFFF3000  }
0x35: {  	[tilespmem:s7], [sflag:$0x2] =	stream.indirect.gather [hbm4b:s5+s6], $0x80, s21, s6, $0xb8;
	[tilespmem:$0x1AD00] =	vst v63  }
0x36: {  	_ =	swait.ge [sflag:s13], $0xD000  }
0x37: {  	[sflag:s13] =	ssyncset.done $0x0  }
0x38: {  	s22 =	sadd.s32 $0x8200, s26;
	[sflag:s13] =	ssyncadd.s32 $0xFFFF3000  }
0x39: {  	[hbm4b:s22+s2] =	stream.linear.scatter [tilespmem:s8], [sflag:$0x4], $0xD000, $0x38;
	[tilespmem:$0x1AD00] =	vst v63  }
0x3a: {  	_ =	swait.ge [sflag:s10], $0xD000  }
0x3b: {  	[sflag:s10] =	ssyncset.done $0x0  }
0x3c: {  	s23 =	simm.s32 $0xB60;
	[sflag:s10] =	ssyncadd.s32 $0xFFFF3000  }
0x3d: {  	[tilespmem:s8], [sflag:$0x3] =	stream.indirect.gather [hbm4b:s5+s6], $0x80, s23, s6, $0xb8;
	[tilespmem:$0x1AD00] =	vst v63  }
0x3e: {  	_ =	swait.ge [sflag:s9], $0xD000  }
0x3f: {  	[sflag:s9] =	ssyncset.done $0x0  }
0x40: {  	s25 =	ssub.s32 $0x2, s25;
	s24 =	sadd.s32 $0x9C00, s26;
	[sflag:s9] =	ssyncadd.s32 $0xFFFF3000  }
0x41: {  	[hbm4b:s24+s2] =	stream.linear.scatter [tilespmem:s7], [sflag:$0x4], $0xD000, $0x38;
	[tilespmem:$0x1AD00] =	vst v63  }
0x42: {  	s28 =	sshrl.u32 s25, $0x1;
	_ =	swait.ge [sflag:s10], $0xD000  }
0x43: {  	s28 =	ssub.s32 s25, s28;
	[sflag:s10] =	ssyncset.done $0x0  }
0x44: {  	s31 =	smax.u32 s28, $0x1;
	[sflag:s10] =	ssyncadd.s32 $0xFFFF3000  }
0x45: {  	p0 =	sne.s32 s31, $0x1;
	_ =	swait.ge [sflag:s13], $0xD000  }
.Ltmp0:
0x46: {  	[sflag:s13] =	ssyncset.done $0x0;
	(pc) =	sbr.rel @!p0 .LBB2_2-.Ltmp0, $4  }
0x47: {  	s25 =	sadd.s32 $0xB600, s26;
	[sflag:s13] =	ssyncadd.s32 $0xFFFF3000  }
0x48: {  	[hbm4b:s25+s2] =	stream.linear.scatter [tilespmem:s8], [sflag:$0x4], $0xD000, $0x38;
	[tilespmem:$0x1AD00] =	vst v63  }
0x49: {  	_ =	swait.ge [sflag:s10], $0xD000  }
0x4a: {  	s26 =	sadd.s32 $0xFFFFFFFF, s31;
	[sflag:s10] =	ssyncset.done $0x0  }
.LBB2_1:
0x4b: {  	p0 =	sne.s32 s26, $0x1;
	s26 =	sadd.s32 $0xFFFFFFFF, s26;
	[sflag:s10] =	ssyncadd.s32 $0xFFFF3000  }
0x4c: {  	[tilespmem:s2], [sflag:$0x1] =	stream.linear.gather [hbm4b:s3+s2], $0xD00, $0x38;
	[tilespmem:$0x1AD00] =	vst v63  }
0x4d: {  	_ =	swait.ge [sflag:s4], $0xD00  }
0x4e: {  	[sflag:s4] =	ssyncset.done $0x0  }
0x4f: {  	[sflag:s4] =	ssyncadd.s32 $0xFFFFF300  }
0x50: {  	[tilespmem:s7], [sflag:$0x2] =	stream.indirect.gather [hbm4b:s5+s6], $0x80, s2, s6, $0xb8;
	[tilespmem:$0x1AD00] =	vst v63  }
0x51: {  	_ = 	snop  }
0x52: {  	[tilespmem:s8], [sflag:$0x3] =	stream.indirect.gather [hbm4b:s5+s6], $0x80, s6, s6, $0xb8;
	[tilespmem:$0x1AD00] =	vst v63  }
0x53: {  	_ =	swait.ge [sflag:s9], $0xD000  }
0x54: {  	[sflag:s9] =	ssyncset.done $0x0  }
0x55: {  	[sflag:s9] =	ssyncadd.s32 $0xFFFF3000  }
0x56: {  	[hbm4b:s11+s2] =	stream.linear.scatter [tilespmem:s7], [sflag:$0x4], $0xD000, $0x38;
	[tilespmem:$0x1AD00] =	vst v63  }
0x57: {  	_ =	swait.ge [sflag:s10], $0xD000  }
0x58: {  	[sflag:s10] =	ssyncset.done $0x0  }
0x59: {  	[sflag:s10] =	ssyncadd.s32 $0xFFFF3000  }
0x5a: {  	[tilespmem:s7], [sflag:$0x2] =	stream.indirect.gather [hbm4b:s5+s6], $0x80, s12, s6, $0xb8;
	[tilespmem:$0x1AD00] =	vst v63  }
0x5b: {  	_ =	swait.ge [sflag:s13], $0xD000  }
0x5c: {  	[sflag:s13] =	ssyncset.done $0x0  }
0x5d: {  	[sflag:s13] =	ssyncadd.s32 $0xFFFF3000  }
0x5e: {  	[hbm4b:s14+s2] =	stream.linear.scatter [tilespmem:s8], [sflag:$0x4], $0xD000, $0x38;
	[tilespmem:$0x1AD00] =	vst v63  }
0x5f: {  	_ =	swait.ge [sflag:s10], $0xD000  }
0x60: {  	[sflag:s10] =	ssyncset.done $0x0  }
0x61: {  	[sflag:s10] =	ssyncadd.s32 $0xFFFF3000  }
0x62: {  	[tilespmem:s8], [sflag:$0x3] =	stream.indirect.gather [hbm4b:s5+s6], $0x80, s15, s6, $0xb8;
	[tilespmem:$0x1AD00] =	vst v63  }
0x63: {  	_ =	swait.ge [sflag:s9], $0xD000  }
0x64: {  	[sflag:s9] =	ssyncset.done $0x0  }
0x65: {  	[sflag:s9] =	ssyncadd.s32 $0xFFFF3000  }
0x66: {  	[hbm4b:s16+s2] =	stream.linear.scatter [tilespmem:s7], [sflag:$0x4], $0xD000, $0x38;
	[tilespmem:$0x1AD00] =	vst v63  }
0x67: {  	_ =	swait.ge [sflag:s10], $0xD000  }
0x68: {  	[sflag:s10] =	ssyncset.done $0x0  }
0x69: {  	[sflag:s10] =	ssyncadd.s32 $0xFFFF3000  }
0x6a: {  	[tilespmem:s7], [sflag:$0x2] =	stream.indirect.gather [hbm4b:s5+s6], $0x80, s17, s6, $0xb8;
	[tilespmem:$0x1AD00] =	vst v63  }
0x6b: {  	_ =	swait.ge [sflag:s13], $0xD000  }
0x6c: {  	[sflag:s13] =	ssyncset.done $0x0  }
0x6d: {  	[sflag:s13] =	ssyncadd.s32 $0xFFFF3000  }
0x6e: {  	[hbm4b:s18+s2] =	stream.linear.scatter [tilespmem:s8], [sflag:$0x4], $0xD000, $0x38;
	[tilespmem:$0x1AD00] =	vst v63  }
0x6f: {  	_ =	swait.ge [sflag:s10], $0xD000  }
0x70: {  	[sflag:s10] =	ssyncset.done $0x0  }
0x71: {  	[sflag:s10] =	ssyncadd.s32 $0xFFFF3000  }
0x72: {  	[tilespmem:s8], [sflag:$0x3] =	stream.indirect.gather [hbm4b:s5+s6], $0x80, s19, s6, $0xb8;
	[tilespmem:$0x1AD00] =	vst v63  }
0x73: {  	_ =	swait.ge [sflag:s9], $0xD000  }
0x74: {  	[sflag:s9] =	ssyncset.done $0x0  }
0x75: {  	[sflag:s9] =	ssyncadd.s32 $0xFFFF3000  }
0x76: {  	[hbm4b:s20+s2] =	stream.linear.scatter [tilespmem:s7], [sflag:$0x4], $0xD000, $0x38;
	[tilespmem:$0x1AD00] =	vst v63  }
0x77: {  	_ =	swait.ge [sflag:s10], $0xD000  }
0x78: {  	[sflag:s10] =	ssyncset.done $0x0  }
0x79: {  	[sflag:s10] =	ssyncadd.s32 $0xFFFF3000  }
0x7a: {  	[tilespmem:s7], [sflag:$0x2] =	stream.indirect.gather [hbm4b:s5+s6], $0x80, s21, s6, $0xb8;
	[tilespmem:$0x1AD00] =	vst v63  }
0x7b: {  	_ =	swait.ge [sflag:s13], $0xD000  }
0x7c: {  	[sflag:s13] =	ssyncset.done $0x0  }
0x7d: {  	[sflag:s13] =	ssyncadd.s32 $0xFFFF3000  }
0x7e: {  	[hbm4b:s22+s2] =	stream.linear.scatter [tilespmem:s8], [sflag:$0x4], $0xD000, $0x38;
	[tilespmem:$0x1AD00] =	vst v63  }
0x7f: {  	_ =	swait.ge [sflag:s10], $0xD000  }
0x80: {  	[sflag:s10] =	ssyncset.done $0x0  }
0x81: {  	[sflag:s10] =	ssyncadd.s32 $0xFFFF3000  }
0x82: {  	[tilespmem:s8], [sflag:$0x3] =	stream.indirect.gather [hbm4b:s5+s6], $0x80, s23, s6, $0xb8;
	[tilespmem:$0x1AD00] =	vst v63  }
0x83: {  	_ =	swait.ge [sflag:s9], $0xD000  }
0x84: {  	[sflag:s9] =	ssyncset.done $0x0  }
0x85: {  	[sflag:s9] =	ssyncadd.s32 $0xFFFF3000  }
0x86: {  	[hbm4b:s24+s2] =	stream.linear.scatter [tilespmem:s7], [sflag:$0x4], $0xD000, $0x38;
	[tilespmem:$0x1AD00] =	vst v63  }
0x87: {  	_ =	swait.ge [sflag:s10], $0xD000  }
0x88: {  	[sflag:s10] =	ssyncset.done $0x0  }
0x89: {  	[sflag:s10] =	ssyncadd.s32 $0xFFFF3000  }
0x8a: {  	_ =	swait.ge [sflag:s13], $0xD000  }
.Ltmp1:
0x8b: {  	[sflag:s13] =	ssyncset.done $0x0;
	(pc) =	sbr.rel @p0 .LBB2_1-.Ltmp1, $4  }
0x8c: {  	[sflag:s13] =	ssyncadd.s32 $0xFFFF3000  }
0x8d: {  	[hbm4b:s25+s2] =	stream.linear.scatter [tilespmem:s8], [sflag:$0x4], $0xD000, $0x38;
	[tilespmem:$0x1AD00] =	vst v63  }
0x8e: {  	_ =	swait.ge [sflag:s10], $0xD000  }
0x8f: {  	[sflag:s10] =	ssyncset.done $0x0  }
.LBB2_2:
0x90: {  	[sflag:s10] =	ssyncadd.s32 $0xFFFF3000  }
0x91: {  	_ =	sfence.sel $0x180000  }
0x92: {  	[bflag:$0x0] =	sbarrier.arrive $0xFFFF  }
0x93: {  	p0 =	sne.s32 s0, $0x0;
	_ =	strace $0x90000047  }
0x94: {  	s0 =	sadd.s32 @!p0 $0x100000, s1;
	[bflag:$0x2] =	sbarrier.arrive $0xFFFF  }
0x95: {  	[sflag:s0] =	ssyncadd.tile.s32 @!p0 $0x1;
	_ =	shalt  }
.Lfunc_end2:
_tile_overlayer_lowered:
.L_overlay_start_2:
0x96: {  	(tag) =	ssettag $0x2  }
0x97: {  	s0 =	rddreg [dreg:$0x0];
	s2 =	stileid.u32  }
0x98: {  	s1 =	rddreg [dreg:$0x1];
	p0 =	sne.s32 s2, $0x0  }
0x99: {  	s3 =	rddreg [dreg:$0x2];
	[bflag:$0x3] =	sbarrier.arrive $0xFFFF;
	s2 =	simm.s32 @!p0 $0x1C04  }
0x9a: {  	[timem:s3], [sflag:s2] =	dma.local @!p0 [hbm:s0], s1  }
0x9b: {  	s0 =	simm.s32 @!p0 $0x4  }
0x9c: {  	_ =	swait.ge @!p0 [sflag:s0], s1  }
0x9d: {  	s1 =	ssub.s32 @!p0 $0x0, s1;
	[sflag:s0] =	ssyncset.done @!p0 $0x0  }
0x9e: {  	[sflag:s0] =	ssyncadd.s32 @!p0 s1  }
0x9f: {  	[bflag:$0x3] =	sbarrier.arrive $0xFFFF  }
0xa0: {  	_ =	shalt  }

</sc_bundles>
